<compile_context>
chip_gen: v7x
topology: tpu7x:2x2x1
jax: 0.10.2.dev20260603
libtpu: 0.0.44.dev20260713+nightly
codegen_flags: <defaults>
</compile_context>

<pallas_src>
import functools

import jax
import jax.numpy as jnp
from jax import lax
from jax.experimental import pallas as pl
from jax.experimental.pallas import tpu as pltpu
from jax.experimental.pallas import tpu_sc as plsc

T, N, V = 2048, 16, 1024
BLANK = V - 1
BT = 128
GRID = T // BT
LANES = 16


def _stage1_body(lens_ref, x_ref, amax_ref, msum_ref, olen_ref, prev_ref):
    step = pl.program_id(0)
    x = x_ref[...]
    m = jnp.max(x, axis=1)
    iota_v = lax.broadcasted_iota(jnp.int32, x.shape, 1).astype(jnp.float32)
    a_flat = jnp.min(jnp.where(x == m[:, None], iota_v, float(V)),
                     axis=1).astype(jnp.int32)
    s = jnp.sum(jnp.exp(x), axis=1)
    mlp = (m - jnp.log(s)).reshape(BT, N)
    a = a_flat.reshape(BT, N)

    carry = jnp.where(step == 0, jnp.full((1, N), -1, jnp.int32),
                      prev_ref[0:1, :N])
    a_prev = jnp.concatenate([carry, a[:-1, :]], axis=0)
    prev_ref[0:1, :N] = a[-1:, :]

    tloc = lax.broadcasted_iota(jnp.int32, (BT, N), 0) + step * BT
    tmask = tloc < lens_ref[...]
    keep = (a != BLANK) & (a != a_prev) & tmask

    amax_ref[...] = (a | (keep.astype(jnp.int32) << 12)).T

    @pl.when(step == 0)
    def _():
        msum_ref[...] = jnp.zeros((1, N), jnp.float32)
        olen_ref[...] = jnp.zeros((1, N), jnp.int32)

    msum_ref[...] += jnp.sum(jnp.where(tmask, mlp, 0.0), axis=0)[None, :]
    olen_ref[...] += jnp.sum(keep.astype(jnp.int32), axis=0)[None, :]


def _stage1(logits, lens_row):
    return pl.pallas_call(
        _stage1_body,
        grid=(GRID,),
        in_specs=[
            pl.BlockSpec((1, N), lambda i: (0, 0)),
            pl.BlockSpec((BT * N, V), lambda i: (i, 0)),
        ],
        out_specs=[
            pl.BlockSpec((N, BT), lambda i: (0, i)),
            pl.BlockSpec((1, N), lambda i: (0, 0)),
            pl.BlockSpec((1, N), lambda i: (0, 0)),
        ],
        out_shape=[
            jax.ShapeDtypeStruct((N, T), jnp.int32),
            jax.ShapeDtypeStruct((1, N), jnp.float32),
            jax.ShapeDtypeStruct((1, N), jnp.int32),
        ],
        scratch_shapes=[pltpu.VMEM((8, 128), jnp.int32)],
    )(lens_row, logits.reshape(T * N, V))


def _stage2(packed_nt):
    mesh = plsc.VectorSubcoreMesh(core_axis_name="c", subcore_axis_name="s")

    @functools.partial(
        pl.kernel,
        out_type=jax.ShapeDtypeStruct((N, T), jnp.int32),
        mesh=mesh,
        scratch_types=[pltpu.VMEM((T,), jnp.int32)],
        compiler_params=pltpu.CompilerParams(needs_layout_passes=False),
    )
    def sc_kernel(packed_hbm, paths_hbm, a_v):
        cid = lax.axis_index("c")
        sid = lax.axis_index("s")
        row = cid * 8 + sid

        @pl.when(sid < 8)
        def _():
            pltpu.sync_copy(packed_hbm.at[row], a_v)

            def chunk(i, cnt):
                for u in range(2):
                    off = (2 * i + u) * LANES
                    p = a_v[pl.ds(off, LANES)]
                    k = p >> 12
                    a = p & 0xFFF
                    a_v[pl.ds(off, LANES)] = a
                    c = plsc.cumsum(k)
                    pos = cnt + c - 1
                    plsc.store_scatter(a_v, [pos], a, mask=k != 0)
                    cnt = cnt + c[LANES - 1]
                return cnt

            lax.fori_loop(0, T // LANES // 2, chunk, jnp.int32(0))
            pltpu.sync_copy(a_v, paths_hbm.at[row])

    return sc_kernel(packed_nt)


def kernel(logits, in_lens):
    lens_row = in_lens.reshape(1, N)
    packed_nt, msum, olen = _stage1(logits, lens_row)
    paths_nt = _stage2(packed_nt)
    return (msum.reshape(N), paths_nt.T, olen.reshape(N))

# --- scband reference (transcript-rebuilt; emitter-appended) ---
"""Pipeline reference for scband-ctcgreedy-search-7756710937360 (READ-ONLY COPY).

The authoritative reference and input builder live on the scoring server;
editing this copy changes nothing except your own understanding.
"""

import jax, jax.numpy as jnp
import numpy as np

T, N, V = 2048, 16, 1024
BLANK = -1

def setup_inputs(seed: int = 0) -> dict:
    key = jax.random.key(seed)
    k1, k2 = jax.random.split(key)
    logits = jax.random.normal(k1, (T, N, V), dtype=jnp.float32)
    in_lens = jax.random.randint(k2, (N,), 0, T).astype(jnp.int32)
    return {"logits": logits, "in_lens": in_lens}

def reference(logits, in_lens):
    # CTCGreedySearch with blank_idx=-1, batch_first=False, is_probs=False
    V_ = logits.shape[2]
    blank_idx = (BLANK + V_) % V_
    lp = jax.nn.log_softmax(logits, axis=2)
    lp = jnp.transpose(lp, (1, 0, 2))  # (N, T, V) since batch_first=False
    max_ = jnp.max(lp, axis=2)
    argmax = jnp.argmax(lp, axis=2).astype(jnp.int32)
    keep_mask = argmax != blank_idx
    keep_mask = keep_mask.at[:, 1:].set(keep_mask[:, 1:] & (argmax[:, 1:] != argmax[:, :-1]))
    seq_size = argmax.shape[1]
    t_idx = jnp.arange(seq_size)
    in_len_mask = t_idx[None, :] < in_lens[:, None]
    keep_mask = keep_mask & in_len_mask
    max_ = jnp.where(in_len_mask, max_, 0.0)
    out_lens = keep_mask.astype(jnp.int32).sum(axis=1)
    out_len_mask = t_idx[None, :] < out_lens[:, None]
    max_ = max_.sum(axis=1)
    # masked_select + masked_scatter_ (row-major, matches torch semantics),
    # expressed as a fixed-shape per-row stable compaction scatter
    flat_paths = argmax.reshape(-1)
    pos = jnp.cumsum(keep_mask.astype(jnp.int32), axis=1) - 1
    rows = jnp.arange(keep_mask.shape[0], dtype=jnp.int32)[:, None]
    dst = jnp.where(keep_mask, rows * seq_size + pos, flat_paths.shape[0])
    flat_paths = flat_paths.at[dst.reshape(-1)].set(argmax.reshape(-1), mode='drop')
    paths = flat_paths.reshape(argmax.shape)
    paths = paths.T  # back to (T, N) since batch_first=False
    return (max_, paths, out_lens)

if __name__ == "__main__":
    import jax
    _d = setup_inputs()
    print(jax.jit(kernel)(*tuple(_d.values())))

</pallas_src>

<mosaic_0001>
#map = affine_map<(d0, d1) -> (0, 0)>
module attributes {stable_mosaic.version = 14 : i64} {
  func.func @sc_kernel(%arg0: i32, %arg1: i32, %arg2: memref<16x2048xi32, #tpu.memory_space<hbm>>, %arg3: memref<16x2048xi32, #tpu.memory_space<hbm>>, %arg4: memref<2048xi32, #tpu.memory_space<vmem>>) attributes {dimension_semantics = [#tpu.dimension_semantics<core_parallel>, #tpu.dimension_semantics<subcore_parallel>], iteration_bounds = array<i64: 2, 16>, scalar_prefetch = 0 : i64, scratch_operands = 1 : i64, tpu.core_type = #tpu.core_type<sc_vector_subcore>, window_params = [{transform_indices = #map}, {transform_indices = #map}]} {
    %mul3A = arith.constant 8 : i32
    %mul3A_0 = arith.muli %arg0, %mul3A : i32
    %add3A = arith.addi %mul3A_0, %arg1 : i32
    %lt3A = arith.constant 8 : i32
    %lt3A_1 = arith.cmpi slt, %arg1, %lt3A : i32
    %convert_element_type3A = arith.extui %lt3A_1 : i1 to i32
    %cond3A = arith.constant 0 : i32
    %cond3A_2 = arith.cmpi ne, %convert_element_type3A, %cond3A : i32
    scf.if %cond3A_2 {
      "tpu.region"() ({
        %run_scoped3A = tpu.sem_alloc : memref<!tpu.dma_semaphore, #tpu.memory_space<semaphore_mem>>
        %dma_start3A = arith.constant 0 : i32
        %dma_start3A_9 = tpu.memref_slice %arg2[%add3A, %dma_start3A] : memref<16x2048xi32, #tpu.memory_space<hbm>> -> memref<1x2048xi32, #tpu.memory_space<hbm>>
        %dma_start3A_10 = tpu.memref_squeeze %dma_start3A_9 : memref<1x2048xi32, #tpu.memory_space<hbm>> -> memref<2048xi32, #tpu.memory_space<hbm>>
        %dma_start3A_11 = arith.constant 0 : i32
        %dma_start3A_12 = tpu.memref_slice %arg2[%add3A, %dma_start3A_11] : memref<16x2048xi32, #tpu.memory_space<hbm>> -> memref<1x2048xi32, #tpu.memory_space<hbm>>
        %dma_start3A_13 = tpu.memref_squeeze %dma_start3A_12 : memref<1x2048xi32, #tpu.memory_space<hbm>> -> memref<2048xi32, #tpu.memory_space<hbm>>
        tpu.enqueue_dma source(%dma_start3A_13 : memref<2048xi32, #tpu.memory_space<hbm>>) target(%arg4 : memref<2048xi32, #tpu.memory_space<vmem>>) target_semaphore(%run_scoped3A : memref<!tpu.dma_semaphore, #tpu.memory_space<semaphore_mem>>)
        %dma_wait3A = arith.constant 0 : i32
        %dma_wait3A_14 = tpu.memref_slice %arg2[%add3A, %dma_wait3A] : memref<16x2048xi32, #tpu.memory_space<hbm>> -> memref<1x2048xi32, #tpu.memory_space<hbm>>
        %dma_wait3A_15 = tpu.memref_squeeze %dma_wait3A_14 : memref<1x2048xi32, #tpu.memory_space<hbm>> -> memref<2048xi32, #tpu.memory_space<hbm>>
        %dma_wait3A_16 = arith.constant 0 : i32
        %dma_wait3A_17 = tpu.memref_slice %arg2[%add3A, %dma_wait3A_16] : memref<16x2048xi32, #tpu.memory_space<hbm>> -> memref<1x2048xi32, #tpu.memory_space<hbm>>
        %dma_wait3A_18 = tpu.memref_squeeze %dma_wait3A_17 : memref<1x2048xi32, #tpu.memory_space<hbm>> -> memref<2048xi32, #tpu.memory_space<hbm>>
        tpu.wait_dma2 semaphore(%run_scoped3A : memref<!tpu.dma_semaphore, #tpu.memory_space<semaphore_mem>>) src(%dma_wait3A_18 : memref<2048xi32, #tpu.memory_space<hbm>>) dst(%arg4 : memref<2048xi32, #tpu.memory_space<vmem>>)
        tpu.yield
      }) : () -> ()
      %scan3A = arith.constant 0 : i32
      %scan3A_3 = arith.constant 0 : i32
      %scan3A_4 = arith.constant 64 : i32
      %scan3A_5 = arith.addi %scan3A_3, %scan3A_4 : i32
      %scan3A_6 = arith.constant 1 : i32
      %scan3A_7 = scf.for %scan3A_9 = %scan3A_3 to %scan3A_5 step %scan3A_6 iter_args(%scan3A_10 = %scan3A) -> (i32)  : i32 {
        %mul3A_11 = arith.constant 2 : i32
        %mul3A_12 = arith.muli %mul3A_11, %scan3A_9 : i32
        %add3A_13 = arith.constant 0 : i32
        %add3A_14 = arith.addi %mul3A_12, %add3A_13 : i32
        %mul3A_15 = arith.constant 16 : i32
        %mul3A_16 = arith.muli %add3A_14, %mul3A_15 : i32
        %get3A = arith.index_cast %mul3A_16 : i32 to index
        %get3A_17 = tpu.vector_load %arg4[%get3A] {strides = array<i32>} : memref<2048xi32, #tpu.memory_space<vmem>>, vector<16xi32>,
        %shift_right_arithmetic3A = arith.constant 12 : i32
        %shift_right_arithmetic3A_18 = vector.broadcast %shift_right_arithmetic3A : i32 to vector<16xi32>
        %shift_right_arithmetic3A_19 = arith.shrsi %get3A_17, %shift_right_arithmetic3A_18 : vector<16xi32>
        %and3A = arith.constant 4095 : i32
        %and3A_20 = vector.broadcast %and3A : i32 to vector<16xi32>
        %and3A_21 = arith.andi %get3A_17, %and3A_20 : vector<16xi32>
        %swap3A = arith.index_cast %mul3A_16 : i32 to index
        %swap3A_22 = tpu.vector_load %arg4[%swap3A] {strides = array<i32>} : memref<2048xi32, #tpu.memory_space<vmem>>, vector<16xi32>,
        tpu.vector_store %arg4[%swap3A], %and3A_21 {strides = array<i32>} : memref<2048xi32, #tpu.memory_space<vmem>>, vector<16xi32>,
        %broadcast_in_dim3A = arith.constant true
        %broadcast_in_dim3A_23 = vector.broadcast %broadcast_in_dim3A : i1 to vector<16xi1>
        %masked_cumsum3A = tpu.scan <sum>, %shift_right_arithmetic3A_19 masked %broadcast_in_dim3A_23 : vector<16xi32>, vector<16xi1> -> vector<16xi32>
        %add3A_24 = vector.broadcast %scan3A_10 : i32 to vector<16xi32>
        %add3A_25 = arith.addi %add3A_24, %masked_cumsum3A : vector<16xi32>
        %sub3A = arith.constant 1 : i32
        %sub3A_26 = vector.broadcast %sub3A : i32 to vector<16xi32>
        %sub3A_27 = arith.subi %add3A_25, %sub3A_26 : vector<16xi32>
        %ne3A = arith.constant 0 : i32
        %ne3A_28 = vector.broadcast %ne3A : i32 to vector<16xi32>
        %ne3A_29 = arith.cmpi ne, %shift_right_arithmetic3A_19, %ne3A_28 : vector<16xi32>
        tpu.vector_store_idx %arg4[%sub3A_27], %and3A_21 masked %ne3A_29 : memref<2048xi32, #tpu.memory_space<vmem>>[vector<16xi32>], vector<16xi32>, vector<16xi1>
        %slice3A = vector.extract_strided_slice %masked_cumsum3A {offsets = [15], sizes = [1], strides = [1]} : vector<16xi32> to vector<1xi32>
        %squeeze3A = vector.extract %slice3A[0] : i32 from vector<1xi32>
        %add3A_30 = arith.addi %scan3A_10, %squeeze3A : i32
        %mul3A_31 = arith.constant 2 : i32
        %mul3A_32 = arith.muli %mul3A_31, %scan3A_9 : i32
        %add3A_33 = arith.constant 1 : i32
        %add3A_34 = arith.addi %mul3A_32, %add3A_33 : i32
        %mul3A_35 = arith.constant 16 : i32
        %mul3A_36 = arith.muli %add3A_34, %mul3A_35 : i32
        %get3A_37 = arith.index_cast %mul3A_36 : i32 to index
        %get3A_38 = tpu.vector_load %arg4[%get3A_37] {strides = array<i32>} : memref<2048xi32, #tpu.memory_space<vmem>>, vector<16xi32>,
        %shift_right_arithmetic3A_39 = arith.constant 12 : i32
        %shift_right_arithmetic3A_40 = vector.broadcast %shift_right_arithmetic3A_39 : i32 to vector<16xi32>
        %shift_right_arithmetic3A_41 = arith.shrsi %get3A_38, %shift_right_arithmetic3A_40 : vector<16xi32>
        %and3A_42 = arith.constant 4095 : i32
        %and3A_43 = vector.broadcast %and3A_42 : i32 to vector<16xi32>
        %and3A_44 = arith.andi %get3A_38, %and3A_43 : vector<16xi32>
        %swap3A_45 = arith.index_cast %mul3A_36 : i32 to index
        %swap3A_46 = tpu.vector_load %arg4[%swap3A_45] {strides = array<i32>} : memref<2048xi32, #tpu.memory_space<vmem>>, vector<16xi32>,
        tpu.vector_store %arg4[%swap3A_45], %and3A_44 {strides = array<i32>} : memref<2048xi32, #tpu.memory_space<vmem>>, vector<16xi32>,
        %broadcast_in_dim3A_47 = arith.constant true
        %broadcast_in_dim3A_48 = vector.broadcast %broadcast_in_dim3A_47 : i1 to vector<16xi1>
        %masked_cumsum3A_49 = tpu.scan <sum>, %shift_right_arithmetic3A_41 masked %broadcast_in_dim3A_48 : vector<16xi32>, vector<16xi1> -> vector<16xi32>
        %add3A_50 = vector.broadcast %add3A_30 : i32 to vector<16xi32>
        %add3A_51 = arith.addi %add3A_50, %masked_cumsum3A_49 : vector<16xi32>
        %sub3A_52 = arith.constant 1 : i32
        %sub3A_53 = vector.broadcast %sub3A_52 : i32 to vector<16xi32>
        %sub3A_54 = arith.subi %add3A_51, %sub3A_53 : vector<16xi32>
        %ne3A_55 = arith.constant 0 : i32
        %ne3A_56 = vector.broadcast %ne3A_55 : i32 to vector<16xi32>
        %ne3A_57 = arith.cmpi ne, %shift_right_arithmetic3A_41, %ne3A_56 : vector<16xi32>
        tpu.vector_store_idx %arg4[%sub3A_54], %and3A_44 masked %ne3A_57 : memref<2048xi32, #tpu.memory_space<vmem>>[vector<16xi32>], vector<16xi32>, vector<16xi1>
        %slice3A_58 = vector.extract_strided_slice %masked_cumsum3A_49 {offsets = [15], sizes = [1], strides = [1]} : vector<16xi32> to vector<1xi32>
        %squeeze3A_59 = vector.extract %slice3A_58[0] : i32 from vector<1xi32>
        %add3A_60 = arith.addi %add3A_30, %squeeze3A_59 : i32
        scf.yield %add3A_60 : i32
      }
      %scan3A_8 = arith.constant 64 : i32
      "tpu.region"() ({
        %run_scoped3A = tpu.sem_alloc : memref<!tpu.dma_semaphore, #tpu.memory_space<semaphore_mem>>
        %dma_start3A = arith.constant 0 : i32
        %dma_start3A_9 = tpu.memref_slice %arg3[%add3A, %dma_start3A] : memref<16x2048xi32, #tpu.memory_space<hbm>> -> memref<1x2048xi32, #tpu.memory_space<hbm>>
        %dma_start3A_10 = tpu.memref_squeeze %dma_start3A_9 : memref<1x2048xi32, #tpu.memory_space<hbm>> -> memref<2048xi32, #tpu.memory_space<hbm>>
        %dma_start3A_11 = arith.constant 0 : i32
        %dma_start3A_12 = tpu.memref_slice %arg3[%add3A, %dma_start3A_11] : memref<16x2048xi32, #tpu.memory_space<hbm>> -> memref<1x2048xi32, #tpu.memory_space<hbm>>
        %dma_start3A_13 = tpu.memref_squeeze %dma_start3A_12 : memref<1x2048xi32, #tpu.memory_space<hbm>> -> memref<2048xi32, #tpu.memory_space<hbm>>
        tpu.enqueue_dma source(%arg4 : memref<2048xi32, #tpu.memory_space<vmem>>) target(%dma_start3A_13 : memref<2048xi32, #tpu.memory_space<hbm>>) target_semaphore(%run_scoped3A : memref<!tpu.dma_semaphore, #tpu.memory_space<semaphore_mem>>)
        %dma_wait3A = arith.constant 0 : i32
        %dma_wait3A_14 = tpu.memref_slice %arg3[%add3A, %dma_wait3A] : memref<16x2048xi32, #tpu.memory_space<hbm>> -> memref<1x2048xi32, #tpu.memory_space<hbm>>
        %dma_wait3A_15 = tpu.memref_squeeze %dma_wait3A_14 : memref<1x2048xi32, #tpu.memory_space<hbm>> -> memref<2048xi32, #tpu.memory_space<hbm>>
        %dma_wait3A_16 = arith.constant 0 : i32
        %dma_wait3A_17 = tpu.memref_slice %arg3[%add3A, %dma_wait3A_16] : memref<16x2048xi32, #tpu.memory_space<hbm>> -> memref<1x2048xi32, #tpu.memory_space<hbm>>
        %dma_wait3A_18 = tpu.memref_squeeze %dma_wait3A_17 : memref<1x2048xi32, #tpu.memory_space<hbm>> -> memref<2048xi32, #tpu.memory_space<hbm>>
        tpu.wait_dma2 semaphore(%run_scoped3A : memref<!tpu.dma_semaphore, #tpu.memory_space<semaphore_mem>>) src(%arg4 : memref<2048xi32, #tpu.memory_space<vmem>>) dst(%dma_wait3A_18 : memref<2048xi32, #tpu.memory_space<hbm>>)
        tpu.yield
      }) : () -> ()
    } else {
    }
    return
  }
}

module attributes {stable_mosaic.version = 14 : i64} {
  func.func @_stage1_body(%arg0: i32, %arg1: memref<1x16xi32, #tpu.memory_space<vmem>>, %arg2: memref<2048x1024xf32, #tpu.memory_space<vmem>>, %arg3: memref<16x128xi32, #tpu.memory_space<vmem>>, %arg4: memref<1x16xf32, #tpu.memory_space<vmem>>, %arg5: memref<1x16xi32, #tpu.memory_space<vmem>>, %arg6: memref<8x128xi32, #tpu.memory_space<vmem>>) attributes {dimension_semantics = [#tpu.dimension_semantics<arbitrary>], iteration_bounds = array<i64: 16>, scalar_prefetch = 0 : i64, scratch_operands = 1 : i64, tpu.core_type = #tpu.core_type<tc>, window_params = [{pipeline_mode = #tpu.pipeline_mode<synchronous>, transform_indices = @transform_0, window_bounds = array<i64: 1, 16>}, {transform_indices = @transform_1, window_bounds = array<i64: 2048, 1024>}, {transform_indices = @transform_2, window_bounds = array<i64: 16, 128>}, {pipeline_mode = #tpu.pipeline_mode<synchronous>, transform_indices = @transform_3, window_bounds = array<i64: 1, 16>}, {pipeline_mode = #tpu.pipeline_mode<synchronous>, transform_indices = @transform_4, window_bounds = array<i64: 1, 16>}]} {
    %get3A = arith.constant 0 : index
    %get3A_0 = arith.constant 0 : index
    %get3A_1 = vector.load %arg2[%get3A, %get3A_0] : memref<2048x1024xf32, #tpu.memory_space<vmem>>, vector<2048x1024xf32>
    %reduce_max3A = arith.constant dense<0xFF800000> : vector<2048xf32>
    %reduce_max3A_2 = vector.multi_reduction <maximumf>, %get3A_1, %reduce_max3A [1] : vector<2048x1024xf32> to vector<2048xf32>
    %iota3A = tpu.iota {dimensions = array<i32: 1>} : vector<2048x1024xi32>
    %convert_element_type3A = arith.sitofp %iota3A : vector<2048x1024xi32> to vector<2048x1024xf32>
    %broadcast_in_dim3A = vector.shape_cast %reduce_max3A_2 : vector<2048xf32> to vector<2048x1xf32>
    %eq3A = vector.broadcast %broadcast_in_dim3A : vector<2048x1xf32> to vector<2048x1024xf32>
    %eq3A_3 = arith.cmpf oeq, %get3A_1, %eq3A : vector<2048x1024xf32>
    %jit3A = arith.constant 1.024000e+03 : f32
    %broadcast_in_dim3A_4 = vector.broadcast %jit3A : f32 to vector<2048x1024xf32>
    %select_n3A = arith.select %eq3A_3, %convert_element_type3A, %broadcast_in_dim3A_4 : vector<2048x1024xi1>, vector<2048x1024xf32>
    %reduce_min3A = arith.constant dense<0x7F800000> : vector<2048xf32>
    %reduce_min3A_5 = vector.multi_reduction <minimumf>, %select_n3A, %reduce_min3A [1] : vector<2048x1024xf32> to vector<2048xf32>
    %convert_element_type3A_6 = arith.fptosi %reduce_min3A_5 : vector<2048xf32> to vector<2048xi32>
    %exp3A = math.exp %get3A_1 : vector<2048x1024xf32>
    %reduce_sum3A = arith.constant dense<0.000000e+00> : vector<2048xf32>
    %reduce_sum3A_7 = vector.multi_reduction <add>, %exp3A, %reduce_sum3A [1] : vector<2048x1024xf32> to vector<2048xf32>
    %log3A = math.log %reduce_sum3A_7 : vector<2048xf32>
    %sub3A = arith.subf %reduce_max3A_2, %log3A : vector<2048xf32>
    %reshape3A = vector.shape_cast %sub3A : vector<2048xf32> to vector<128x16xf32>
    %reshape3A_8 = vector.shape_cast %convert_element_type3A_6 : vector<2048xi32> to vector<128x16xi32>
    %eq3A_9 = arith.constant 0 : i32
    %eq3A_10 = arith.cmpi eq, %arg0, %eq3A_9 : i32
    %broadcast_in_dim3A_11 = arith.constant -1 : i32
    %broadcast_in_dim3A_12 = vector.broadcast %broadcast_in_dim3A_11 : i32 to vector<1x16xi32>
    %get3A_13 = arith.constant 0 : index
    %get3A_14 = arith.constant 0 : index
    %get3A_15 = vector.load %arg6[%get3A_13, %get3A_14] : memref<8x128xi32, #tpu.memory_space<vmem>>, vector<1x16xi32>
    %select_n3A_16 = arith.select %eq3A_10, %broadcast_in_dim3A_12, %get3A_15 : vector<1x16xi32>
    %slice3A = vector.extract_strided_slice %reshape3A_8 {offsets = [0, 0], sizes = [127, 16], strides = [1, 1]} : vector<128x16xi32> to vector<127x16xi32>
    %concatenate3A = tpu.concatenate %select_n3A_16, %slice3A in 0 : vector<1x16xi32>, vector<127x16xi32> -> vector<128x16xi32>
    %slice3A_17 = vector.extract_strided_slice %reshape3A_8 {offsets = [127, 0], sizes = [1, 16], strides = [1, 1]} : vector<128x16xi32> to vector<1x16xi32>
    %swap3A = arith.constant 0 : index
    %swap3A_18 = arith.constant 0 : index
    %swap3A_19 = vector.load %arg6[%swap3A, %swap3A_18] : memref<8x128xi32, #tpu.memory_space<vmem>>, vector<1x16xi32>
    tpu.vector_store %arg6[%swap3A, %swap3A_18], %slice3A_17 {strides = array<i32>} : memref<8x128xi32, #tpu.memory_space<vmem>>, vector<1x16xi32>,
    %iota3A_20 = tpu.iota {dimensions = array<i32: 0>} : vector<128x16xi32>
    %mul3A = arith.constant 128 : i32
    %mul3A_21 = arith.muli %arg0, %mul3A : i32
    %add3A = vector.broadcast %mul3A_21 : i32 to vector<128x16xi32>
    %add3A_22 = arith.addi %iota3A_20, %add3A : vector<128x16xi32>
    %get3A_23 = arith.constant 0 : index
    %get3A_24 = arith.constant 0 : index
    %get3A_25 = vector.load %arg1[%get3A_23, %get3A_24] : memref<1x16xi32, #tpu.memory_space<vmem>>, vector<1x16xi32>
    %lt3A = vector.broadcast %get3A_25 : vector<1x16xi32> to vector<128x16xi32>
    %lt3A_26 = arith.cmpi slt, %add3A_22, %lt3A : vector<128x16xi32>
    %ne3A = arith.constant -1 : i32
    %ne3A_27 = vector.broadcast %ne3A : i32 to vector<128x16xi32>
    %ne3A_28 = arith.cmpi ne, %reshape3A_8, %ne3A_27 : vector<128x16xi32>
    %ne3A_29 = arith.cmpi ne, %reshape3A_8, %concatenate3A : vector<128x16xi32>
    %and3A = arith.andi %ne3A_28, %ne3A_29 : vector<128x16xi1>
    %and3A_30 = arith.andi %and3A, %lt3A_26 : vector<128x16xi1>
    %convert_element_type3A_31 = arith.extui %and3A_30 : vector<128x16xi1> to vector<128x16xi32>
    %shift_left3A = arith.constant 12 : i32
    %shift_left3A_32 = vector.broadcast %shift_left3A : i32 to vector<128x16xi32>
    %shift_left3A_33 = arith.shli %convert_element_type3A_31, %shift_left3A_32 : vector<128x16xi32>
    %or3A = arith.ori %reshape3A_8, %shift_left3A_33 : vector<128x16xi32>
    %transpose3A = tpu.transpose %or3A, [1, 0] : vector<128x16xi32> -> vector<16x128xi32>
    %swap3A_34 = arith.constant 0 : index
    %swap3A_35 = arith.constant 0 : index
    %swap3A_36 = vector.load %arg3[%swap3A_34, %swap3A_35] : memref<16x128xi32, #tpu.memory_space<vmem>>, vector<16x128xi32>
    tpu.vector_store %arg3[%swap3A_34, %swap3A_35], %transpose3A {strides = array<i32>} : memref<16x128xi32, #tpu.memory_space<vmem>>, vector<16x128xi32>,
    %eq3A_37 = arith.constant 0 : i32
    %eq3A_38 = arith.cmpi eq, %arg0, %eq3A_37 : i32
    %convert_element_type3A_39 = arith.extui %eq3A_38 : i1 to i32
    %cond3A = arith.constant 0 : i32
    %cond3A_40 = arith.cmpi ne, %convert_element_type3A_39, %cond3A : i32
    scf.if %cond3A_40 {
      %broadcast_in_dim3A_65 = arith.constant 0.000000e+00 : f32
      %broadcast_in_dim3A_66 = vector.broadcast %broadcast_in_dim3A_65 : f32 to vector<1x16xf32>
      %swap3A_67 = arith.constant 0 : index
      %swap3A_68 = arith.constant 0 : index
      %swap3A_69 = vector.load %arg4[%swap3A_67, %swap3A_68] : memref<1x16xf32, #tpu.memory_space<vmem>>, vector<1x16xf32>
      tpu.vector_store %arg4[%swap3A_67, %swap3A_68], %broadcast_in_dim3A_66 {strides = array<i32>} : memref<1x16xf32, #tpu.memory_space<vmem>>, vector<1x16xf32>,
      %broadcast_in_dim3A_70 = arith.constant 0 : i32
      %broadcast_in_dim3A_71 = vector.broadcast %broadcast_in_dim3A_70 : i32 to vector<1x16xi32>
      %swap3A_72 = arith.constant 0 : index
      %swap3A_73 = arith.constant 0 : index
      %swap3A_74 = vector.load %arg5[%swap3A_72, %swap3A_73] : memref<1x16xi32, #tpu.memory_space<vmem>>, vector<1x16xi32>
      tpu.vector_store %arg5[%swap3A_72, %swap3A_73], %broadcast_in_dim3A_71 {strides = array<i32>} : memref<1x16xi32, #tpu.memory_space<vmem>>, vector<1x16xi32>,
    } else {
    }
    %get3A_41 = arith.constant 0 : index
    %get3A_42 = arith.constant 0 : index
    %get3A_43 = vector.load %arg4[%get3A_41, %get3A_42] : memref<1x16xf32, #tpu.memory_space<vmem>>, vector<1x16xf32>
    %jit3A_44 = arith.constant 0.000000e+00 : f32
    %broadcast_in_dim3A_45 = vector.broadcast %jit3A_44 : f32 to vector<128x16xf32>
    %select_n3A_46 = arith.select %lt3A_26, %reshape3A, %broadcast_in_dim3A_45 : vector<128x16xi1>, vector<128x16xf32>
    %reduce_sum3A_47 = arith.constant dense<0.000000e+00> : vector<16xf32>
    %reduce_sum3A_48 = vector.multi_reduction <add>, %select_n3A_46, %reduce_sum3A_47 [0] : vector<128x16xf32> to vector<16xf32>
    %broadcast_in_dim3A_49 = vector.shape_cast %reduce_sum3A_48 : vector<16xf32> to vector<1x16xf32>
    %add3A_50 = arith.addf %get3A_43, %broadcast_in_dim3A_49 : vector<1x16xf32>
    %swap3A_51 = arith.constant 0 : index
    %swap3A_52 = arith.constant 0 : index
    %swap3A_53 = vector.load %arg4[%swap3A_51, %swap3A_52] : memref<1x16xf32, #tpu.memory_space<vmem>>, vector<1x16xf32>
    tpu.vector_store %arg4[%swap3A_51, %swap3A_52], %add3A_50 {strides = array<i32>} : memref<1x16xf32, #tpu.memory_space<vmem>>, vector<1x16xf32>,
    %get3A_54 = arith.constant 0 : index
    %get3A_55 = arith.constant 0 : index
    %get3A_56 = vector.load %arg5[%get3A_54, %get3A_55] : memref<1x16xi32, #tpu.memory_space<vmem>>, vector<1x16xi32>
    %convert_element_type3A_57 = arith.extui %and3A_30 : vector<128x16xi1> to vector<128x16xi32>
    %reduce_sum3A_58 = arith.constant dense<0> : vector<16xi32>
    %reduce_sum3A_59 = vector.multi_reduction <add>, %convert_element_type3A_57, %reduce_sum3A_58 [0] : vector<128x16xi32> to vector<16xi32>
    %broadcast_in_dim3A_60 = vector.shape_cast %reduce_sum3A_59 : vector<16xi32> to vector<1x16xi32>
    %add3A_61 = arith.addi %get3A_56, %broadcast_in_dim3A_60 : vector<1x16xi32>
    %swap3A_62 = arith.constant 0 : index
    %swap3A_63 = arith.constant 0 : index
    %swap3A_64 = vector.load %arg5[%swap3A_62, %swap3A_63] : memref<1x16xi32, #tpu.memory_space<vmem>>, vector<1x16xi32>
    tpu.vector_store %arg5[%swap3A_62, %swap3A_63], %add3A_61 {strides = array<i32>} : memref<1x16xi32, #tpu.memory_space<vmem>>, vector<1x16xi32>,
    return
  }
  func.func @transform_0(%arg0: i32) -> (i32, i32) {
    %c0_i32 = arith.constant 0 : i32
    %c0_i32_0 = arith.constant 0 : i32
    %c0_i32_1 = arith.constant 0 : i32
    return %c0_i32, %c0_i32_0 : i32, i32
  }
  func.func @transform_1(%arg0: i32) -> (i32, i32) {
    %c0_i32 = arith.constant 0 : i32
    %c0_i32_0 = arith.constant 0 : i32
    return %arg0, %c0_i32 : i32, i32
  }
  func.func @transform_2(%arg0: i32) -> (i32, i32) {
    %c0_i32 = arith.constant 0 : i32
    %c0_i32_0 = arith.constant 0 : i32
    return %c0_i32, %arg0 : i32, i32
  }
  func.func @transform_3(%arg0: i32) -> (i32, i32) {
    %c0_i32 = arith.constant 0 : i32
    %c0_i32_0 = arith.constant 0 : i32
    %c0_i32_1 = arith.constant 0 : i32
    return %c0_i32, %c0_i32_0 : i32, i32
  }
  func.func @transform_4(%arg0: i32) -> (i32, i32) {
    %c0_i32 = arith.constant 0 : i32
    %c0_i32_0 = arith.constant 0 : i32
    %c0_i32_1 = arith.constant 0 : i32
    return %c0_i32, %c0_i32_0 : i32, i32
  }
}

</mosaic_0001>

<sc_bundles>
// kernel: kernel.4.cloned.1.call-start
scs
__scs_entry_jumppad:
0x0: {  	(pc) =	sbr.rel $0x88, $3  }
0x1: {  	(tag) =	ssettag $0x0;
	lr =	simm.s32 $0x1  }
0x2: {  	[smem:$0x3F9F] =	sst lr;
	_ =	strace $0xD0000000  }
0x3: {  	_ = 	snop  }
0x4: {  	_ = 	snop  }
0x5: {  	_ = 	snop  }
0x6: {  	_ = 	snop  }
0x7: {  	_ = 	snop  }
__scs_overlays_trampoline_lowered:
0x8: {  	[smem:$0x3FAE] =	sst s0  }
0x9: {  	[smem:$0x3FAF] =	sst s1  }
0xa: {  	[smem:$0x3FB0] =	sst s2  }
0xb: {  	[smem:$0x3FB1] =	sst s3  }
0xc: {  	[smem:$0x3FB2] =	sst s4  }
0xd: {  	[smem:$0x3FB3] =	sst s5  }
0xe: {  	[smem:$0x3FB4] =	sst s6  }
0xf: {  	[smem:$0x3FB5] =	sst s7  }
0x10: {  	[smem:$0x3FB6] =	sst s8  }
0x11: {  	[smem:$0x3FB7] =	sst s9;
	s0 =	simm.s32 @!p0 $0x0  }
0x12: {  	s1 =	sld [smem:$0x3F9D];
	s0 =	simm.s32 @p0 $0x1  }
0x13: {  	[smem:$0x3FB8] =	sst s0;
	s0 =	simm.s32 @!p1 $0x0  }
0x14: {  	s2 =	sld [smem:$0x3F9C];
	s0 =	simm.s32 @p1 $0x1  }
0x15: {  	[smem:$0x3FB9] =	sst s0;
	s0 =	simm.s32 @!p2 $0x0  }
0x16: {  	s3 =	sld [smem:$0x3FDB];
	s0 =	simm.s32 @p2 $0x1  }
0x17: {  	s4 =	simm.s32 $0x1BF5;
	[smem:$0x3FBB] =	sst s0  }
0x18: {  	s0 =	sld [smem:$0x3F9E];
	_ =	swait.ge [sflag:s4], $0x0  }
0x19: {  	s7 =	sld [smem:$0x3F9F]  }
0x1a: {  	s8 =	sadd.s32 $0xFFFFE003, lr  }
0x1b: {  	s9 =	sadd.s32 $0xFFFFFEF7, lr;
	s5 =	simm.s32 $0xFFFFFFFF;
	p2 =	slt.u32 s8, $0xFFFFF086  }
0x1c: {  	p1 =	slt.u32 s9, $0xF7A;
	s5 =	simm.s32 @!p2 $0x0  }
0x1d: {  	s5 =	simm.s32 @p1 $0x1;
	p0 =	seq.s32 s7, s2  }
0x1e: {  	s7 =	smul.u32 @!p0 $0xF7A, s2;
	p2 =	seq.s32 @!p0 s5, $0x0  }
0x1f: {  	s9 =	smul.u32 $0xF7A, s1;
	s8 =	simm.s32 @!p0 $0x1BF5;
	p2 =	por !p2, p0  }
0x20: {  	[sflag:s8] =	ssyncset.s32 @!p0 $0xFFFFF086;
	s6 =	sadd.s32 @!p0 s3, s7;
	s7 =	simm.s32 @!p0 $0x108  }
0x21: {  	s3 =	sadd.s32 s3, s9;
	s6 =	sadd.s32 @!p0 $0x88, s6;
	s7 =	simm.s32 @p2 $0x1082  }
0x22: {  	[simem:s7], [sflag:s8] =	dma.local @!p0 [hbm:s6], $0xF7A  }
0x23: {  	s9 =	sor.u32 $0xD0000000, s2;
	s6 =	simm.s32 $0x108;
	_ =	swait.ge @!p0 [sflag:s8], $0x0  }
0x24: {  	s3 =	sadd.s32 $0x88, s3;
	s6 =	simm.s32 @!p1 $0x1082;
	[sflag:s4] =	ssyncset.s32 $0xFFFFF086  }
0x25: {  	[simem:s6], [sflag:s4] =	dma.local [hbm:s3], $0xF7A  }
0x26: {  	[smem:$0x3F9F] =	sst s1;
	(tag) =	ssettag s2;
	_ =	strace s9  }
0x27: {  	s1 =	sld [smem:$0x3FAF]  }
0x28: {  	s2 =	sld [smem:$0x3FB0]  }
0x29: {  	s4 =	sld [smem:$0x3FB2]  }
0x2a: {  	p0 =	seq.s32 s5, $0x0;
	s5 =	sld [smem:$0x3FB3]  }
0x2b: {  	s6 =	sld [smem:$0x3FB4]  }
0x2c: {  	s7 =	sld [smem:$0x3FB5]  }
0x2d: {  	s3 =	simm.s32 $0x108;
	s8 =	sld [smem:$0x3FB6]  }
0x2e: {  	s3 =	simm.s32 @!p0 $0x1082;
	s9 =	sld [smem:$0x3FB7]  }
0x2f: {  	lr =	sadd.s32 s0, s3;
	s0 =	sld [smem:$0x3FAE]  }
0x30: {  	s3 =	sld [smem:$0x3FB1]  }
0x31: {  	[smem:$0x3FBA] =	sst s10  }
0x32: {  	s10 =	sld [smem:$0x3FB8];
	_ =	sdelay $0x3  }
0x33: {  	p0 =	seq.s32 s10, $0x1;
	s10 =	sld [smem:$0x3FBA];
	_ =	sdelay $0x3  }
0x34: {  	[smem:$0x3FBA] =	sst s10  }
0x35: {  	s10 =	sld [smem:$0x3FB9];
	_ =	sdelay $0x3  }
0x36: {  	p1 =	seq.s32 s10, $0x1;
	s10 =	sld [smem:$0x3FBA];
	_ =	sdelay $0x3  }
0x37: {  	[smem:$0x3FBA] =	sst s10  }
0x38: {  	s10 =	sld [smem:$0x3FBB]  }
0x39: {  	_ = 	snop;
	(pc) =	sbr.ind lr, $3  }
0x3a: {  	_ = 	snop  }
0x3b: {  	_ = 	snop  }
0x3c: {  	p2 =	seq.s32 s10, $0x1;
	s10 =	sld [smem:$0x3FBA]  }
0x3d: {  	_ =	shalt  }
0x3e: {  	_ =	shalt  }
0x3f: {  	_ =	shalt  }
0x40: {  	_ =	shalt  }
0x41: {  	_ =	shalt  }
0x42: {  	_ =	shalt  }
0x43: {  	_ =	shalt  }
0x44: {  	_ =	shalt  }
0x45: {  	_ =	shalt  }
0x46: {  	_ =	shalt  }
0x47: {  	_ =	shalt  }
0x48: {  	_ =	shalt  }
0x49: {  	_ =	shalt  }
0x4a: {  	_ =	shalt  }
0x4b: {  	_ =	shalt  }
0x4c: {  	_ =	shalt  }
0x4d: {  	_ =	shalt  }
0x4e: {  	_ =	shalt  }
0x4f: {  	_ =	shalt  }
0x50: {  	_ =	shalt  }
0x51: {  	_ =	shalt  }
0x52: {  	_ =	shalt  }
0x53: {  	_ =	shalt  }
0x54: {  	_ =	shalt  }
0x55: {  	_ =	shalt  }
0x56: {  	_ =	shalt  }
0x57: {  	_ =	shalt  }
0x58: {  	_ =	shalt  }
0x59: {  	_ =	shalt  }
0x5a: {  	_ =	shalt  }
0x5b: {  	_ =	shalt  }
0x5c: {  	_ =	shalt  }
0x5d: {  	_ =	shalt  }
0x5e: {  	_ =	shalt  }
0x5f: {  	_ =	shalt  }
0x60: {  	_ =	shalt  }
0x61: {  	_ =	shalt  }
0x62: {  	_ =	shalt  }
0x63: {  	_ =	shalt  }
0x64: {  	_ =	shalt  }
0x65: {  	_ =	shalt  }
0x66: {  	_ =	shalt  }
0x67: {  	_ =	shalt  }
0x68: {  	_ =	shalt  }
0x69: {  	_ =	shalt  }
0x6a: {  	_ =	shalt  }
0x6b: {  	_ =	shalt  }
0x6c: {  	_ =	shalt  }
0x6d: {  	_ =	shalt  }
0x6e: {  	_ =	shalt  }
0x6f: {  	_ =	shalt  }
0x70: {  	_ =	shalt  }
0x71: {  	_ =	shalt  }
0x72: {  	_ =	shalt  }
0x73: {  	_ =	shalt  }
0x74: {  	_ =	shalt  }
0x75: {  	_ =	shalt  }
0x76: {  	_ =	shalt  }
0x77: {  	_ =	shalt  }
0x78: {  	_ =	shalt  }
0x79: {  	_ =	shalt  }
0x7a: {  	_ =	shalt  }
0x7b: {  	_ =	shalt  }
0x7c: {  	_ =	shalt  }
0x7d: {  	_ =	shalt  }
0x7e: {  	_ =	shalt  }
0x7f: {  	_ =	shalt  }
0x80: {  	_ =	shalt  }
0x81: {  	_ =	shalt  }
0x82: {  	_ =	shalt  }
0x83: {  	_ =	shalt  }
0x84: {  	_ =	shalt  }
0x85: {  	_ =	shalt  }
0x86: {  	_ =	shalt  }
0x87: {  	_ =	shalt  }
.Lfunc_end0:
.L_simem_size_0:
called_computation_lowered:
.L_overlay_start_0:
0x88: {  	s2 =	sld [smem:$0x3FD9]  }
0x89: {  	s3 =	sld [smem:$0x3FFE];
	_ =	sdelay $0x1  }
0x8a: {  	s1 =	srdreg.scid  }
0x8b: {  	s0 =	sand.u32 $0x1, s1  }
0x8c: {  	s14 =	sshll.u32 s0, $0xA;
	s2 =	sadd.s32 s3, s2  }
0x8d: {  	s2 =	sadd.s32 s2, s14  }
0x8e: {  	[smem:$0x3FC6] =	sst s2  }
0x8f: {  	_ = 	snop  }
0x90: {  	s2 =	sld [smem:$0x3FD0];
	_ =	sdelay $0x2  }
0x91: {  	s15 =	simm.s32 $0xA;
	s4 =	simm.s32 $0x10  }
0x92: {  	[smem:s4], [sflag:s15] =	dma.local [hbm:s2], $0x1  }
0x93: {  	_ =	swait.eq [sflag:s15], $0x1  }
0x94: {  	[sflag:s15] =	ssyncset.done $0x0  }
0x95: {  	[sflag:s15] =	ssyncadd.s32 $0xFFFFFFFF  }
0x96: {  	s16 =	sld [smem:$0x11];
	(tm) =	ssettm $0x1  }
0x97: {  	s17 =	sld [smem:$0x3FFB];
	_ =	sdelay $0x3  }
0x98: {  	_ =	strace s17  }
0x99: {  	s3 =	sld [smem:$0x3FFC];
	_ =	sdelay $0x3  }
0x9a: {  	_ =	strace s3  }
0x9b: {  	s3 =	sld [smem:$0x3FFD];
	_ =	sdelay $0x3  }
0x9c: {  	_ =	strace s3  }
0x9d: {  	_ =	strace $0x8FFFFFFF  }
0x9e: {  	s18 =	sld [smem:$0x3FDB];
	_ =	sdelay $0x1  }
0x9f: {  	s19 =	simm.s32 $_scs_section_size  }
0xa0: {  	s5 =	simm.s32 $_size__tile_overlayer_lowered;
	s6 =	simm.s32 $_tile_overlayer_lowered  }
0xa1: {  	s22 =	simm.s32 $0x1BFF;
	s21 =	sshll.u32 s6, $0x1;
	s3 =	sadd.s32 s19, s18  }
0xa2: {  	s7 =	simm.s32 $0x0;
	s20 =	sshll.u32 s5, $0x1;
	s5 =	sadd.s32 s21, s3  }
0xa3: {  	[timem:s7], [sflag:s22] =	dma.local [hbm:s5], s20  }
0xa4: {  	_ =	swait.ge [sflag:s22], s20  }
0xa5: {  	s4 =	ssub.s32 $0x0, s20;
	[sflag:s22] =	ssyncset.done $0x0  }
0xa6: {  	[sflag:s22] =	ssyncadd.s32 s4;
	_ =	sdelay $0x1  }
0xa7: {  	s23 =	simm.s32 $0x1B8B  }
0xa8: {  	_ =	swait.ge [sflag:s23], $0x1  }
0xa9: {  	[sflag:s23] =	ssyncset.done $0x0  }
0xaa: {  	s25 =	simm.s32 $0x1B8E;
	s24 =	sld [smem:$0x3FFE];
	[sflag:s23] =	ssyncadd.s32 $0xFFFFFFFF  }
0xab: {  	s26 =	simm.s32 $execute0_lowered;
	[smem:$0x3FD2] =	sst s25  }
0xac: {  	s5 =	sshll.u32 s26, $0x1;
	_ =	strace $0x80000046;
	[dreg:$0x1] =	wrdreg $0xFFFFFFFF  }
0xad: {  	s28 =	simm.s32 $_size_execute0_lowered;
	s3 =	sadd.s32 s3, s5;
	[dreg:$0x0] =	wrdreg $0x0  }
0xae: {  	s5 =	sshll.u32 s28, $0x1;
	[dreg:$0x2] =	wrdreg s3  }
0xaf: {  	[dreg:$0x3] =	wrdreg s5  }
0xb0: {  	[dreg:$0x4] =	wrdreg $0xC0  }
0xb1: {  	_ =	task [dreg:s7], $0x5FFFF  }
0xb2: {  	[dreg:$0x1] =	wrdreg $0xFFFFFFFF  }
0xb3: {  	[dreg:$0x0] =	wrdreg $0x60  }
0xb4: {  	[dreg:$0x2] =	wrdreg s24  }
0xb5: {  	[dreg:$0x3] =	wrdreg s16  }
0xb6: {  	[dreg:$0x4] =	wrdreg $0x9  }
0xb7: {  	_ =	task.clear_ibuf [dreg:s7], $0x5FFFF;
	_ =	strace $0x90000046  }
0xb8: {  	s29 =	simm.s32 $0x9;
	_ =	strace $0x80000048  }
0xb9: {  	_ =	swait.ge [sflag:s29], $0x1  }
0xba: {  	[sflag:s29] =	ssyncadd.s32 $0xFFFFFFFF  }
0xbb: {  	_ =	strace $0x90000048  }
0xbc: {  	_ =	sfence  }
0xbd: {  	s30 =	sld [smem:$0x0];
	_ =	sdelay $0x2  }
0xbe: {  	s31 =	sshll.u32 s1, $0xD;
	s1 =	sshrl.u32 s1, $0x2  }
0xbf: {  	s3 =	sand.u32 $0x4000, s31;
	s1 =	sadd.s32 s1, s30  }
0xc0: {  	s0 =	sor.u32 s3, s0;
	s1 =	sshll.u32 s1, $0x11  }
0xc1: {  	s0 =	sor.u32 s1, s0  }
0xc2: {  	s0 =	sadd.s32 $0x8F2B, s0  }
0xc3: {  	[sflag:s0] =	ssyncadd.remote.s32 $0x1  }
0xc4: {  	_ =	sfence.sel $0xFFFF  }
0xc5: {  	[dreg:$0x0] =	wrdreg $0xFFFFFFFF;
	(pc) =	sbr.abs _section_cstart, $3  }
0xc6: {  	[dreg:$0x1] =	wrdreg $0xFFFFFFFF  }
0xc7: {  	_ =	task.clear_ibuf [dreg:s7], $0x2FFFF;
	_ =	strace $0x9FFFFFFF  }
0xc8: {  	(tm) =	ssettm $0x7FFFFFFF  }
0xc9: {  	_ =	shalt  }
tec
execute0_lowered:
.L_overlay_start_1:
0x0: {  	(tag) =	ssettag $0x1  }
0x1: {  	s1 =	stileid.u32  }
0x2: {  	p0 =	sgt.u32 s1, $0x7  }
.Ltmp0:
0x3: {  	_ = 	snop;
	(pc) =	sbr.rel @p0 .LBB2_5-.Ltmp0, $4  }
0x4: {  	s3 =	rddreg [dreg:$0x0]  }
0x5: {  	s4 =	rddreg [dreg:$0x1];
	s2 =	simm.s32 $0x0  }
0x6: {  	[smem:$0x7FF] =	sst s2  }
0x7: {  	s0 =	rddreg [dreg:$0x2];
	_ =	strace $0x80000047  }
0x8: {  	s5 =	srdreg.scid  }
0x9: {  	s7 =	sshll.u32 s1, $0x4;
	s8 =	sadd.s32 $0xA00, s3;
	s5 =	sand.u32 $0x1, s5  }
0xa: {  	s9 =	simm.s32 $0x0;
	s6 =	sshll.u32 s5, $0xB;
	s5 =	ssub.s32 $0x2, s5  }
0xb: {  	s6 =	sor.u32 s7, s6;
	s31 =	sshrl.u32 s5, $0x1;
	s7 =	simm.s32 $0x400  }
0xc: {  	s3 =	sadd.s32 s4, s6;
	s5 =	ssub.s32 s5, s31;
	s4 =	sadd.s32 s8, s6  }
0xd: {  	s6 =	simm.s32 $0x80;
	s8 =	simm.s32 $0x1;
	s5 =	smax.u32 s5, $0x1  }
.LBB2_2:
0xe: {  	s10 =	simm.s32 $0x0  }
0xf: {  	[tilespmem:s10], [sflag:$0x1] =	stream.strided.gather [hbm4b:s4+s6], $0x800, s7, s6, $0x38;
	[tilespmem:$0x800] =	vst v63  }
0x10: {  	_ =	swait.ge [sflag:s8], $0x800  }
0x11: {  	[sflag:s8] =	ssyncset.done $0x0  }
0x12: {  	s11 =	simm.s32 $0x0;
	[sflag:s8] =	ssyncadd.s32 $0xFFFFF800  }
0x13: {  	v0 =	vld [tilespmem:s11+$0x0];
	_ =	sdelay $0x4  }
0x14: {  	v1 =	vshra.s32 v0, $0xC  }
0x15: {  	(xrf0) =	vadd.scan.msk.s32 $0xffff, v1;
	_ =	sdelay $0x2  }
0x16: {  	v2 =	vmov s10  }
0x17: {  	v2 =	vadd.s32 $0xFFFFFFFF, v2  }
0x18: {  	v2 =	vbroadcast v2, $0x0  }
0x19: {  	vm0 =	vne.s32 v1, $0x0;
	v1, _, _ =	vpop (xrf0)  }
0x1a: {  	v2 =	vadd.s32 v1, v2  }
0x1b: {  	(v2sf) =	vpush v1, $0xF;
	_ =	sdelay $0x1  }
0x1c: {  	v0 =	vand.u32 $0xFFF, v0  }
0x1d: {  	[tilespmem:s11+$0x0] =	vst v0  }
0x1e: {  	[tilespmem:v2+s2+$0x0] =	vst.idx.msk vm0, v0  }
0x1f: {  	v0 =	vld [tilespmem:s11+$0x10];
	_ =	sdelay $0x4  }
0x20: {  	v1 =	vshra.s32 v0, $0xC  }
0x21: {  	(xrf0) =	vadd.scan.msk.s32 $0xffff, v1;
	_ =	sdelay $0x3  }
0x22: {  	s31 =	spop (v2sf)  }
0x23: {  	s12 =	sadd.s32 $0x0, s31  }
0x24: {  	v2 =	vmov s12;
	v3, _, _ =	vpop (xrf0)  }
0x25: {  	v2 =	vadd.s32 $0xFFFFFFFF, v2;
	(v2sf) =	vpush v3, $0xF  }
0x26: {  	v2 =	vbroadcast v2, $0x0  }
0x27: {  	vm15 =	vne.s32 v1, $0x0  }
0x28: {  	v1 =	vadd.s32 v3, v2;
	_ =	sdelay $0x2  }
0x29: {  	v0 =	vand.u32 $0xFFF, v0  }
0x2a: {  	[tilespmem:s11+$0x10] =	vst v0  }
0x2b: {  	s10 =	simm.s32 $0x20;
	[tilespmem:v1+s2+$0x0] =	vst.idx.msk vm15, v0  }
0x2c: {  	v0 =	vld [tilespmem:s10+$0x0];
	_ =	sdelay $0x4  }
0x2d: {  	v1 =	vshra.s32 v0, $0xC  }
0x2e: {  	s11 =	simm.s32 $0x100;
	(xrf0) =	vadd.scan.msk.s32 $0xffff, v1;
	s13 =	spop (v2sf)  }
.LBB2_3:
0x2f: {  	p0 =	sne.s32 s11, $0x1F80  }
0x30: {  	s12 =	sadd.s32 s12, s13;
	s13 =	smov.u32 s11;
	s11 =	sadd.s32 $0x80, s11  }
0x31: {  	v2 =	vmov s12  }
0x32: {  	v2 =	vadd.s32 $0xFFFFFFFF, v2  }
0x33: {  	v2 =	vbroadcast v2, $0x0  }
0x34: {  	vm0 =	vne.s32 v1, $0x0;
	v1, _, _ =	vpop (xrf0)  }
0x35: {  	v2 =	vadd.s32 v1, v2;
	(v2sf) =	vpush v1, $0xF;
	_ =	sdelay $0x2  }
0x36: {  	v0 =	vand.u32 $0xFFF, v0  }
0x37: {  	[tilespmem:s10+$0x0] =	vst v0  }
0x38: {  	[tilespmem:v2+s2+$0x0] =	vst.idx.msk vm0, v0  }
0x39: {  	v0 =	vld [tilespmem:s10+$0x10];
	_ =	sdelay $0x4  }
0x3a: {  	v1 =	vshra.s32 v0, $0xC  }
0x3b: {  	(xrf0) =	vadd.scan.msk.s32 $0xffff, v1;
	_ =	sdelay $0x2  }
0x3c: {  	s14 =	spop (v2sf)  }
0x3d: {  	s12 =	sadd.s32 s12, s14  }
0x3e: {  	v2 =	vmov s12  }
0x3f: {  	v2 =	vadd.s32 $0xFFFFFFFF, v2;
	v3, _, _ =	vpop (xrf0)  }
0x40: {  	v2 =	vbroadcast v2, $0x0;
	(v2sf) =	vpush v3, $0xF  }
0x41: {  	vm0 =	vne.s32 v1, $0x0  }
0x42: {  	v1 =	vadd.s32 v3, v2;
	_ =	sdelay $0x2  }
0x43: {  	v0 =	vand.u32 $0xFFF, v0  }
0x44: {  	[tilespmem:s10+$0x10] =	vst v0  }
0x45: {  	s10 =	sshra.s32 s13, $0x2;
	[tilespmem:v1+s2+$0x0] =	vst.idx.msk vm0, v0  }
0x46: {  	v0 =	vld [tilespmem:s10+$0x0];
	_ =	sdelay $0x2  }
.Ltmp1:
0x47: {  	(pc) =	sbr.rel @p0 .LBB2_3-.Ltmp1, $4  }
0x48: {  	_ = 	snop  }
0x49: {  	v1 =	vshra.s32 v0, $0xC  }
0x4a: {  	(xrf0) =	vadd.scan.msk.s32 $0xffff, v1  }
0x4b: {  	s13 =	spop (v2sf)  }
0x4c: {  	s11 =	sadd.s32 s12, s13  }
0x4d: {  	v2 =	vmov s11  }
0x4e: {  	v2 =	vadd.s32 $0xFFFFFFFF, v2  }
0x4f: {  	v2 =	vbroadcast v2, $0x0  }
0x50: {  	vm0 =	vne.s32 v1, $0x0;
	v60, _, _ =	vpop (xrf0)  }
0x51: {  	v2 =	vadd.s32 v60, v2;
	_ =	sdelay $0x2  }
0x52: {  	v0 =	vand.u32 $0xFFF, v0  }
0x53: {  	[tilespmem:s10+$0x0] =	vst v0  }
0x54: {  	(v2sf) =	vpush v60, $0xF;
	[tilespmem:v2+s2+$0x0] =	vst.idx.msk vm0, v0  }
0x55: {  	v0 =	vld [tilespmem:s10+$0x10];
	_ =	sdelay $0x4  }
0x56: {  	v61 =	vshra.s32 v0, $0xC  }
0x57: {  	(xrf0) =	vadd.scan.msk.s32 $0xffff, v61;
	_ =	sdelay $0x5  }
0x58: {  	v62, _, _ =	vpop (xrf0)  }
0x59: {  	(v2sf) =	vpush v62, $0xF  }
0x5a: {  	s30 =	spop (v2sf)  }
0x5b: {  	s11 =	sadd.s32 s11, s30  }
0x5c: {  	v3 =	vmov s11  }
0x5d: {  	v3 =	vadd.s32 $0xFFFFFFFF, v3  }
0x5e: {  	v3 =	vbroadcast v3, $0x0  }
0x5f: {  	vm15 =	vne.s32 v61, $0x0  }
0x60: {  	v63 =	vadd.s32 v62, v3;
	_ =	sdelay $0x2  }
0x61: {  	v0 =	vand.u32 $0xFFF, v0  }
0x62: {  	s9 =	sadd.s32 $0x1, s9;
	[tilespmem:s10+$0x10] =	vst v0  }
0x63: {  	p0 =	sne.s32 s9, s5;
	[tilespmem:v63+s2+$0x0] =	vst.idx.msk vm15, v0  }
0x64: {  	[hbm4b:s3+s6] =	stream.strided.scatter [tilespmem:s2], [sflag:$0x1], $0x800, s7, s6, $0x38;
	[tilespmem:$0x800] =	vst v63  }
.Ltmp2:
0x65: {  	_ = 	snop;
	(pc) =	sbr.rel @p0 .LBB2_2-.Ltmp2, $4  }
0x66: {  	s31 =	spop (v2sf)  }
0x67: {  	_ =	swait.ge [sflag:s8], $0x800  }
0x68: {  	[sflag:s8] =	ssyncset.done $0x0  }
0x69: {  	[sflag:s8] =	ssyncadd.s32 $0xFFFFF800  }
.LBB2_5:
0x6a: {  	_ =	sfence.sel $0x180000  }
0x6b: {  	[bflag:$0x0] =	sbarrier.arrive $0xFFFF  }
0x6c: {  	p0 =	sne.s32 s1, $0x0;
	_ =	strace $0x90000047  }
0x6d: {  	s0 =	sadd.s32 @!p0 $0x100000, s0;
	[bflag:$0x2] =	sbarrier.arrive $0xFFFF  }
0x6e: {  	[sflag:s0] =	ssyncadd.tile.s32 @!p0 $0x1;
	_ =	shalt  }
.Lfunc_end2:
_tile_overlayer_lowered:
.L_overlay_start_2:
0x6f: {  	(tag) =	ssettag $0x2  }
0x70: {  	s0 =	rddreg [dreg:$0x0];
	s2 =	stileid.u32  }
0x71: {  	s1 =	rddreg [dreg:$0x1];
	p0 =	sne.s32 s2, $0x0  }
0x72: {  	s3 =	rddreg [dreg:$0x2];
	[bflag:$0x3] =	sbarrier.arrive $0xFFFF;
	s2 =	simm.s32 @!p0 $0x1C01  }
0x73: {  	[timem:s3], [sflag:s2] =	dma.local @!p0 [hbm:s0], s1  }
0x74: {  	s0 =	simm.s32 @!p0 $0x1  }
0x75: {  	_ =	swait.ge @!p0 [sflag:s0], s1  }
0x76: {  	s1 =	ssub.s32 @!p0 $0x0, s1;
	[sflag:s0] =	ssyncset.done @!p0 $0x0  }
0x77: {  	[sflag:s0] =	ssyncadd.s32 @!p0 s1  }
0x78: {  	[bflag:$0x3] =	sbarrier.arrive $0xFFFF  }
0x79: {  	_ =	shalt  }

</sc_bundles>
